<compile_context>
chip_gen: v7x
topology: tpu7x:2x2x1
jax: 0.10.2.dev20260603
libtpu: 0.0.44.dev20260713+nightly
codegen_flags: <defaults>
</compile_context>

<pallas_src>
import functools

import jax
import jax.numpy as jnp
from jax import lax
from jax.experimental import pallas as pl
from jax.experimental.pallas import tpu as pltpu
from jax.experimental.pallas import tpu_sc as plsc

E = 6_400_000
NSEG = 200
STRENGTH = 0.001

NC = 2
NS = 16
NW = NC * NS
LANES = 16

ACC = 256
ACCW = ACC * LANES
PER_TILE = E // NW
CHUNK = 20_000
NCHUNK = PER_TILE // CHUNK
VECS = CHUNK // LANES


def _sc_partials(x, idx):
    mesh = plsc.VectorSubcoreMesh(core_axis_name="c", subcore_axis_name="s")

    @functools.partial(
        pl.kernel,
        mesh=mesh,
        compiler_params=pltpu.CompilerParams(needs_layout_passes=False),
        out_type=jax.ShapeDtypeStruct((2, NW, ACCW), jnp.float32),
        scratch_types=[
            pltpu.VMEM((CHUNK,), jnp.float32),
            pltpu.VMEM((CHUNK,), jnp.float32),
            pltpu.VMEM((CHUNK,), jnp.int32),
            pltpu.VMEM((CHUNK,), jnp.int32),
            pltpu.VMEM((ACCW,), jnp.float32),
            pltpu.VMEM((ACCW,), jnp.float32),
            pltpu.SemaphoreType.DMA,
            pltpu.SemaphoreType.DMA,
        ],
    )
    def k(x_hbm, idx_hbm, out_hbm, x_buf0, x_buf1, i_buf0, i_buf1,
          acc_s, acc_c, sem0, sem1):
        wid = lax.axis_index("s") * NC + lax.axis_index("c")
        base = wid * PER_TILE
        sems = (sem0, sem1)
        x_bufs = (x_buf0, x_buf1)
        i_bufs = (i_buf0, i_buf1)

        zeros16 = jnp.zeros((LANES,), jnp.float32)

        @plsc.parallel_loop(0, ACCW, step=LANES, unroll=8)
        def _(j):
            acc_s[pl.ds(j, LANES)] = zeros16
            acc_c[pl.ds(j, LANES)] = zeros16

        ones16 = jnp.ones((LANES,), jnp.float32)
        lane16 = lax.broadcasted_iota(jnp.int32, (LANES,), 0)

        def start(c, slot):
            off = base + c * CHUNK
            pltpu.async_copy(
                x_hbm.at[pl.ds(off, CHUNK)], x_bufs[slot], sems[slot])
            pltpu.async_copy(
                idx_hbm.at[pl.ds(off, CHUNK)], i_bufs[slot], sems[slot])

        def wait(slot):
            pltpu.make_async_copy(
                x_hbm.at[pl.ds(0, CHUNK)], x_bufs[slot], sems[slot]).wait()
            pltpu.make_async_copy(
                idx_hbm.at[pl.ds(0, CHUNK)], i_bufs[slot], sems[slot]).wait()

        start(0, 0)
        start(1, 1)

        @pl.loop(0, NCHUNK, step=2)
        def _(c):
            for b in range(2):
                wait(b)

                @plsc.parallel_loop(0, CHUNK, step=LANES, unroll=8)
                def _(i):
                    xv = x_bufs[b][pl.ds(i, LANES)]
                    iv = i_bufs[b][pl.ds(i, LANES)]
                    ivs = iv * LANES + lane16
                    plsc.addupdate_scatter(acc_s, [ivs], xv)
                    plsc.addupdate_scatter(acc_c, [ivs], ones16)

                @pl.when(c + b + 2 < NCHUNK)
                def _():
                    start(c + b + 2, b)

        pltpu.sync_copy(acc_s, out_hbm.at[0, wid])
        pltpu.sync_copy(acc_c, out_hbm.at[1, wid])

    return k(x, idx)


def _loss_tc(partials, target_pad):

    def body(p_ref, t_ref, o_ref):
        sums = jnp.sum(jnp.sum(p_ref[0], axis=2), axis=0).reshape(1, ACC)
        cnts = jnp.sum(jnp.sum(p_ref[1], axis=2), axis=0).reshape(1, ACC)
        mean = sums / jnp.maximum(cnts, 1.0)
        tpad = jnp.concatenate(
            [t_ref[...], jnp.zeros((ACC - NSEG,), jnp.float32)]).reshape(1, ACC)
        d = mean - tpad
        col = lax.broadcasted_iota(jnp.int32, (1, ACC), 1)
        sq = jnp.where(col < NSEG, d * d, 0.0)
        loss = jnp.sum(sq) * jnp.float32(STRENGTH / NSEG)
        o_ref[...] = jnp.broadcast_to(loss, (1, 1))

    return pl.pallas_call(
        body,
        out_shape=jax.ShapeDtypeStruct((1, 1), jnp.float32),
    )(partials, target_pad)


def kernel(x, idx, target_mean_weights):
    partials = _sc_partials(x, idx)
    partials = partials.reshape(2, NW, ACC, LANES)
    loss = _loss_tc(partials, target_mean_weights)
    return loss[0, 0].astype(jnp.float32)

# --- scband reference (transcript-rebuilt; emitter-appended) ---
"""Pipeline reference for scband-stiff-regularizer-58677843198221 (READ-ONLY COPY).

The authoritative reference and input builder live on the scoring server;
editing this copy changes nothing except your own understanding.
"""

import jax, jax.numpy as jnp
import numpy as np

E = 6400000
NUM_UNIQUE = 200
STRENGTH = 0.001


def _unsorted_segment_mean(x, idx, num_segments):
    sums = jax.ops.segment_sum(x, idx, num_segments=num_segments)
    counts = jax.ops.segment_sum(jnp.ones_like(x), idx, num_segments=num_segments)
    return sums / jnp.maximum(counts, 1.0)


def setup_inputs(seed: int = 0) -> dict:
    key = jax.random.key(seed)
    k1, k2, k3, k4 = jax.random.split(key, 4)
    # forward input: current recurrent weight vector (one scalar per synapse)
    x = jax.random.normal(k1, (E,), dtype=jnp.float32)
    # idx: result of tf.unique(edge_type_ids) -> dense segment ids in [0, NUM_UNIQUE)
    idx = jax.random.randint(k2, (E,), 0, NUM_UNIQUE, dtype=jnp.int32)
    # __init__ precomputation: initial weights normalized by per-source-node voltage scale,
    # then per-edge-type mean -> target_mean_weights (penalize_relative_change=False path)
    initial_value = jax.random.normal(k3, (E,), dtype=jnp.float32)
    voltage_scale_node_ids = jax.random.uniform(k4, (E,), dtype=jnp.float32, minval=10.0, maxval=30.0)
    initial_value = initial_value / voltage_scale_node_ids
    target_mean_weights = _unsorted_segment_mean(initial_value, idx, NUM_UNIQUE)
    return {"x": x, "idx": idx, "target_mean_weights": target_mean_weights}


def reference(x, idx, target_mean_weights):
    # faithful translation of StiffRegularizer.__call__ with penalize_relative_change=False
    mean_edge_type_weights = _unsorted_segment_mean(x, idx, NUM_UNIQUE)
    reg_loss = jnp.mean(jnp.square(mean_edge_type_weights - target_mean_weights))
    return (reg_loss * jnp.float32(STRENGTH)).astype(jnp.float32)

if __name__ == "__main__":
    import jax
    _d = setup_inputs()
    print(jax.jit(kernel)(*tuple(_d.values())))

</pallas_src>

<mosaic_0001>
#map = affine_map<(d0, d1) -> (0)>
#map1 = affine_map<(d0, d1) -> (0, 0, 0)>
module attributes {stable_mosaic.version = 14 : i64} {
  func.func @k(%arg0: i32, %arg1: i32, %arg2: memref<6400000xf32, #tpu.memory_space<hbm>>, %arg3: memref<6400000xi32, #tpu.memory_space<hbm>>, %arg4: memref<2x32x4096xf32, #tpu.memory_space<hbm>>, %arg5: memref<20000xf32, #tpu.memory_space<vmem>>, %arg6: memref<20000xf32, #tpu.memory_space<vmem>>, %arg7: memref<20000xi32, #tpu.memory_space<vmem>>, %arg8: memref<20000xi32, #tpu.memory_space<vmem>>, %arg9: memref<4096xf32, #tpu.memory_space<vmem>>, %arg10: memref<4096xf32, #tpu.memory_space<vmem>>, %arg11: memref<!tpu.dma_semaphore, #tpu.memory_space<semaphore_mem>>, %arg12: memref<!tpu.dma_semaphore, #tpu.memory_space<semaphore_mem>>) attributes {dimension_semantics = [#tpu.dimension_semantics<core_parallel>, #tpu.dimension_semantics<subcore_parallel>], iteration_bounds = array<i64: 2, 16>, scalar_prefetch = 0 : i64, scratch_operands = 8 : i64, tpu.core_type = #tpu.core_type<sc_vector_subcore>, window_params = [{transform_indices = #map}, {transform_indices = #map}, {transform_indices = #map1}]} {
    %mul3A = arith.constant 2 : i32
    %mul3A_0 = arith.muli %arg1, %mul3A : i32
    %add3A = arith.addi %mul3A_0, %arg0 : i32
    %mul3A_1 = arith.constant 200000 : i32
    %mul3A_2 = arith.muli %add3A, %mul3A_1 : i32
    %broadcast_in_dim3A = arith.constant 0.000000e+00 : f32
    %broadcast_in_dim3A_3 = vector.broadcast %broadcast_in_dim3A : f32 to vector<16xf32>
    %parallel_loop3A = arith.constant 0 : i32
    %parallel_loop3A_4 = arith.constant 4096 : i32
    %parallel_loop3A_5 = arith.constant 16 : i32
    scf.for %parallel_loop3A_24 = %parallel_loop3A to %parallel_loop3A_4 step %parallel_loop3A_5  : i32 {
      %parallel_loop3A_25 = arith.index_cast %parallel_loop3A_24 : i32 to index
      %parallel_loop3A_26 = tpu.vector_load %arg9[%parallel_loop3A_25] {strides = array<i32>} : memref<4096xf32, #tpu.memory_space<vmem>>, vector<16xf32>,
      tpu.vector_store %arg9[%parallel_loop3A_25], %broadcast_in_dim3A_3 {strides = array<i32>} : memref<4096xf32, #tpu.memory_space<vmem>>, vector<16xf32>,
      %parallel_loop3A_27 = arith.index_cast %parallel_loop3A_24 : i32 to index
      %parallel_loop3A_28 = tpu.vector_load %arg10[%parallel_loop3A_27] {strides = array<i32>} : memref<4096xf32, #tpu.memory_space<vmem>>, vector<16xf32>,
      tpu.vector_store %arg10[%parallel_loop3A_27], %broadcast_in_dim3A_3 {strides = array<i32>} : memref<4096xf32, #tpu.memory_space<vmem>>, vector<16xf32>,
    } {sc.loop_unroll_factor = 8 : i64, sc.parallel_access}
    %broadcast_in_dim3A_6 = arith.constant 1.000000e+00 : f32
    %broadcast_in_dim3A_7 = vector.broadcast %broadcast_in_dim3A_6 : f32 to vector<16xf32>
    %iota3A = tpu.iota {dimensions = array<i32: 0>} : vector<16xi32>
    %add3A_8 = arith.constant 0 : i32
    %add3A_9 = arith.addi %mul3A_2, %add3A_8 : i32
    %dma_start3A = tpu.memref_slice %arg2[%add3A_9] : memref<6400000xf32, #tpu.memory_space<hbm>> -> memref<20000xf32, #tpu.memory_space<hbm>>
    %dma_start3A_10 = tpu.memref_slice %arg2[%add3A_9] : memref<6400000xf32, #tpu.memory_space<hbm>> -> memref<20000xf32, #tpu.memory_space<hbm>>
    tpu.enqueue_dma source(%dma_start3A_10 : memref<20000xf32, #tpu.memory_space<hbm>>) target(%arg5 : memref<20000xf32, #tpu.memory_space<vmem>>) target_semaphore(%arg11 : memref<!tpu.dma_semaphore, #tpu.memory_space<semaphore_mem>>)
    %dma_start3A_11 = tpu.memref_slice %arg3[%add3A_9] : memref<6400000xi32, #tpu.memory_space<hbm>> -> memref<20000xi32, #tpu.memory_space<hbm>>
    %dma_start3A_12 = tpu.memref_slice %arg3[%add3A_9] : memref<6400000xi32, #tpu.memory_space<hbm>> -> memref<20000xi32, #tpu.memory_space<hbm>>
    tpu.enqueue_dma source(%dma_start3A_12 : memref<20000xi32, #tpu.memory_space<hbm>>) target(%arg7 : memref<20000xi32, #tpu.memory_space<vmem>>) target_semaphore(%arg11 : memref<!tpu.dma_semaphore, #tpu.memory_space<semaphore_mem>>)
    %add3A_13 = arith.constant 20000 : i32
    %add3A_14 = arith.addi %mul3A_2, %add3A_13 : i32
    %dma_start3A_15 = tpu.memref_slice %arg2[%add3A_14] : memref<6400000xf32, #tpu.memory_space<hbm>> -> memref<20000xf32, #tpu.memory_space<hbm>>
    %dma_start3A_16 = tpu.memref_slice %arg2[%add3A_14] : memref<6400000xf32, #tpu.memory_space<hbm>> -> memref<20000xf32, #tpu.memory_space<hbm>>
    tpu.enqueue_dma source(%dma_start3A_16 : memref<20000xf32, #tpu.memory_space<hbm>>) target(%arg6 : memref<20000xf32, #tpu.memory_space<vmem>>) target_semaphore(%arg12 : memref<!tpu.dma_semaphore, #tpu.memory_space<semaphore_mem>>)
    %dma_start3A_17 = tpu.memref_slice %arg3[%add3A_14] : memref<6400000xi32, #tpu.memory_space<hbm>> -> memref<20000xi32, #tpu.memory_space<hbm>>
    %dma_start3A_18 = tpu.memref_slice %arg3[%add3A_14] : memref<6400000xi32, #tpu.memory_space<hbm>> -> memref<20000xi32, #tpu.memory_space<hbm>>
    tpu.enqueue_dma source(%dma_start3A_18 : memref<20000xi32, #tpu.memory_space<hbm>>) target(%arg8 : memref<20000xi32, #tpu.memory_space<vmem>>) target_semaphore(%arg12 : memref<!tpu.dma_semaphore, #tpu.memory_space<semaphore_mem>>)
    %scan3A = arith.constant 0 : i32
    %scan3A_19 = arith.constant 5 : i32
    %scan3A_20 = arith.addi %scan3A, %scan3A_19 : i32
    %scan3A_21 = arith.constant 1 : i32
    scf.for %scan3A_24 = %scan3A to %scan3A_20 step %scan3A_21  : i32 {
      %mul3A_25 = arith.constant 2 : i32
      %mul3A_26 = arith.muli %scan3A_24, %mul3A_25 : i32
      %add3A_27 = arith.constant 0 : i32
      %add3A_28 = arith.addi %add3A_27, %mul3A_26 : i32
      %dma_wait3A = arith.constant 0 : i32
      %dma_wait3A_29 = tpu.memref_slice %arg2[%dma_wait3A] : memref<6400000xf32, #tpu.memory_space<hbm>> -> memref<20000xf32, #tpu.memory_space<hbm>>
      %dma_wait3A_30 = arith.constant 0 : i32
      %dma_wait3A_31 = tpu.memref_slice %arg2[%dma_wait3A_30] : memref<6400000xf32, #tpu.memory_space<hbm>> -> memref<20000xf32, #tpu.memory_space<hbm>>
      tpu.wait_dma2 semaphore(%arg11 : memref<!tpu.dma_semaphore, #tpu.memory_space<semaphore_mem>>) src(%dma_wait3A_31 : memref<20000xf32, #tpu.memory_space<hbm>>) dst(%arg5 : memref<20000xf32, #tpu.memory_space<vmem>>)
      %dma_wait3A_32 = arith.constant 0 : i32
      %dma_wait3A_33 = tpu.memref_slice %arg3[%dma_wait3A_32] : memref<6400000xi32, #tpu.memory_space<hbm>> -> memref<20000xi32, #tpu.memory_space<hbm>>
      %dma_wait3A_34 = arith.constant 0 : i32
      %dma_wait3A_35 = tpu.memref_slice %arg3[%dma_wait3A_34] : memref<6400000xi32, #tpu.memory_space<hbm>> -> memref<20000xi32, #tpu.memory_space<hbm>>
      tpu.wait_dma2 semaphore(%arg11 : memref<!tpu.dma_semaphore, #tpu.memory_space<semaphore_mem>>) src(%dma_wait3A_35 : memref<20000xi32, #tpu.memory_space<hbm>>) dst(%arg7 : memref<20000xi32, #tpu.memory_space<vmem>>)
      %parallel_loop3A_36 = arith.constant 0 : i32
      %parallel_loop3A_37 = arith.constant 20000 : i32
      %parallel_loop3A_38 = arith.constant 16 : i32
      scf.for %parallel_loop3A_65 = %parallel_loop3A_36 to %parallel_loop3A_37 step %parallel_loop3A_38  : i32 {
        %parallel_loop3A_66 = arith.index_cast %parallel_loop3A_65 : i32 to index
        %parallel_loop3A_67 = tpu.vector_load %arg5[%parallel_loop3A_66] {strides = array<i32>} : memref<20000xf32, #tpu.memory_space<vmem>>, vector<16xf32>,
        %parallel_loop3A_68 = arith.index_cast %parallel_loop3A_65 : i32 to index
        %parallel_loop3A_69 = tpu.vector_load %arg7[%parallel_loop3A_68] {strides = array<i32>} : memref<20000xi32, #tpu.memory_space<vmem>>, vector<16xi32>,
        %parallel_loop3A_70 = arith.constant 16 : i32
        %parallel_loop3A_71 = vector.broadcast %parallel_loop3A_70 : i32 to vector<16xi32>
        %parallel_loop3A_72 = arith.muli %parallel_loop3A_69, %parallel_loop3A_71 : vector<16xi32>
        %parallel_loop3A_73 = arith.addi %parallel_loop3A_72, %iota3A : vector<16xi32>
        tpu.vector_store_idx %arg9[%parallel_loop3A_73], %parallel_loop3A_67 {add = true} : memref<4096xf32, #tpu.memory_space<vmem>>[vector<16xi32>], vector<16xf32>,
        tpu.vector_store_idx %arg10[%parallel_loop3A_73], %broadcast_in_dim3A_7 {add = true} : memref<4096xf32, #tpu.memory_space<vmem>>[vector<16xi32>], vector<16xf32>,
      } {sc.loop_unroll_factor = 8 : i64, sc.parallel_access}
      %add3A_39 = arith.constant 0 : i32
      %add3A_40 = arith.addi %add3A_28, %add3A_39 : i32
      %add3A_41 = arith.constant 2 : i32
      %add3A_42 = arith.addi %add3A_40, %add3A_41 : i32
      %lt3A = arith.constant 10 : i32
      %lt3A_43 = arith.cmpi slt, %add3A_42, %lt3A : i32
      %convert_element_type3A = arith.extui %lt3A_43 : i1 to i32
      %cond3A = arith.constant 0 : i32
      %cond3A_44 = arith.cmpi ne, %convert_element_type3A, %cond3A : i32
      scf.if %cond3A_44 {
        %add3A_65 = arith.constant 0 : i32
        %add3A_66 = arith.addi %add3A_28, %add3A_65 : i32
        %add3A_67 = arith.constant 2 : i32
        %add3A_68 = arith.addi %add3A_66, %add3A_67 : i32
        %mul3A_69 = arith.constant 20000 : i32
        %mul3A_70 = arith.muli %add3A_68, %mul3A_69 : i32
        %add3A_71 = arith.addi %mul3A_2, %mul3A_70 : i32
        %dma_start3A_72 = tpu.memref_slice %arg2[%add3A_71] : memref<6400000xf32, #tpu.memory_space<hbm>> -> memref<20000xf32, #tpu.memory_space<hbm>>
        %dma_start3A_73 = tpu.memref_slice %arg2[%add3A_71] : memref<6400000xf32, #tpu.memory_space<hbm>> -> memref<20000xf32, #tpu.memory_space<hbm>>
        tpu.enqueue_dma source(%dma_start3A_73 : memref<20000xf32, #tpu.memory_space<hbm>>) target(%arg5 : memref<20000xf32, #tpu.memory_space<vmem>>) target_semaphore(%arg11 : memref<!tpu.dma_semaphore, #tpu.memory_space<semaphore_mem>>)
        %dma_start3A_74 = tpu.memref_slice %arg3[%add3A_71] : memref<6400000xi32, #tpu.memory_space<hbm>> -> memref<20000xi32, #tpu.memory_space<hbm>>
        %dma_start3A_75 = tpu.memref_slice %arg3[%add3A_71] : memref<6400000xi32, #tpu.memory_space<hbm>> -> memref<20000xi32, #tpu.memory_space<hbm>>
        tpu.enqueue_dma source(%dma_start3A_75 : memref<20000xi32, #tpu.memory_space<hbm>>) target(%arg7 : memref<20000xi32, #tpu.memory_space<vmem>>) target_semaphore(%arg11 : memref<!tpu.dma_semaphore, #tpu.memory_space<semaphore_mem>>)
      } else {
      }
      %dma_wait3A_45 = arith.constant 0 : i32
      %dma_wait3A_46 = tpu.memref_slice %arg2[%dma_wait3A_45] : memref<6400000xf32, #tpu.memory_space<hbm>> -> memref<20000xf32, #tpu.memory_space<hbm>>
      %dma_wait3A_47 = arith.constant 0 : i32
      %dma_wait3A_48 = tpu.memref_slice %arg2[%dma_wait3A_47] : memref<6400000xf32, #tpu.memory_space<hbm>> -> memref<20000xf32, #tpu.memory_space<hbm>>
      tpu.wait_dma2 semaphore(%arg12 : memref<!tpu.dma_semaphore, #tpu.memory_space<semaphore_mem>>) src(%dma_wait3A_48 : memref<20000xf32, #tpu.memory_space<hbm>>) dst(%arg6 : memref<20000xf32, #tpu.memory_space<vmem>>)
      %dma_wait3A_49 = arith.constant 0 : i32
      %dma_wait3A_50 = tpu.memref_slice %arg3[%dma_wait3A_49] : memref<6400000xi32, #tpu.memory_space<hbm>> -> memref<20000xi32, #tpu.memory_space<hbm>>
      %dma_wait3A_51 = arith.constant 0 : i32
      %dma_wait3A_52 = tpu.memref_slice %arg3[%dma_wait3A_51] : memref<6400000xi32, #tpu.memory_space<hbm>> -> memref<20000xi32, #tpu.memory_space<hbm>>
      tpu.wait_dma2 semaphore(%arg12 : memref<!tpu.dma_semaphore, #tpu.memory_space<semaphore_mem>>) src(%dma_wait3A_52 : memref<20000xi32, #tpu.memory_space<hbm>>) dst(%arg8 : memref<20000xi32, #tpu.memory_space<vmem>>)
      %parallel_loop3A_53 = arith.constant 0 : i32
      %parallel_loop3A_54 = arith.constant 20000 : i32
      %parallel_loop3A_55 = arith.constant 16 : i32
      scf.for %parallel_loop3A_65 = %parallel_loop3A_53 to %parallel_loop3A_54 step %parallel_loop3A_55  : i32 {
        %parallel_loop3A_66 = arith.index_cast %parallel_loop3A_65 : i32 to index
        %parallel_loop3A_67 = tpu.vector_load %arg6[%parallel_loop3A_66] {strides = array<i32>} : memref<20000xf32, #tpu.memory_space<vmem>>, vector<16xf32>,
        %parallel_loop3A_68 = arith.index_cast %parallel_loop3A_65 : i32 to index
        %parallel_loop3A_69 = tpu.vector_load %arg8[%parallel_loop3A_68] {strides = array<i32>} : memref<20000xi32, #tpu.memory_space<vmem>>, vector<16xi32>,
        %parallel_loop3A_70 = arith.constant 16 : i32
        %parallel_loop3A_71 = vector.broadcast %parallel_loop3A_70 : i32 to vector<16xi32>
        %parallel_loop3A_72 = arith.muli %parallel_loop3A_69, %parallel_loop3A_71 : vector<16xi32>
        %parallel_loop3A_73 = arith.addi %parallel_loop3A_72, %iota3A : vector<16xi32>
        tpu.vector_store_idx %arg9[%parallel_loop3A_73], %parallel_loop3A_67 {add = true} : memref<4096xf32, #tpu.memory_space<vmem>>[vector<16xi32>], vector<16xf32>,
        tpu.vector_store_idx %arg10[%parallel_loop3A_73], %broadcast_in_dim3A_7 {add = true} : memref<4096xf32, #tpu.memory_space<vmem>>[vector<16xi32>], vector<16xf32>,
      } {sc.loop_unroll_factor = 8 : i64, sc.parallel_access}
      %add3A_56 = arith.constant 1 : i32
      %add3A_57 = arith.addi %add3A_28, %add3A_56 : i32
      %add3A_58 = arith.constant 2 : i32
      %add3A_59 = arith.addi %add3A_57, %add3A_58 : i32
      %lt3A_60 = arith.constant 10 : i32
      %lt3A_61 = arith.cmpi slt, %add3A_59, %lt3A_60 : i32
      %convert_element_type3A_62 = arith.extui %lt3A_61 : i1 to i32
      %cond3A_63 = arith.constant 0 : i32
      %cond3A_64 = arith.cmpi ne, %convert_element_type3A_62, %cond3A_63 : i32
      scf.if %cond3A_64 {
        %add3A_65 = arith.constant 1 : i32
        %add3A_66 = arith.addi %add3A_28, %add3A_65 : i32
        %add3A_67 = arith.constant 2 : i32
        %add3A_68 = arith.addi %add3A_66, %add3A_67 : i32
        %mul3A_69 = arith.constant 20000 : i32
        %mul3A_70 = arith.muli %add3A_68, %mul3A_69 : i32
        %add3A_71 = arith.addi %mul3A_2, %mul3A_70 : i32
        %dma_start3A_72 = tpu.memref_slice %arg2[%add3A_71] : memref<6400000xf32, #tpu.memory_space<hbm>> -> memref<20000xf32, #tpu.memory_space<hbm>>
        %dma_start3A_73 = tpu.memref_slice %arg2[%add3A_71] : memref<6400000xf32, #tpu.memory_space<hbm>> -> memref<20000xf32, #tpu.memory_space<hbm>>
        tpu.enqueue_dma source(%dma_start3A_73 : memref<20000xf32, #tpu.memory_space<hbm>>) target(%arg6 : memref<20000xf32, #tpu.memory_space<vmem>>) target_semaphore(%arg12 : memref<!tpu.dma_semaphore, #tpu.memory_space<semaphore_mem>>)
        %dma_start3A_74 = tpu.memref_slice %arg3[%add3A_71] : memref<6400000xi32, #tpu.memory_space<hbm>> -> memref<20000xi32, #tpu.memory_space<hbm>>
        %dma_start3A_75 = tpu.memref_slice %arg3[%add3A_71] : memref<6400000xi32, #tpu.memory_space<hbm>> -> memref<20000xi32, #tpu.memory_space<hbm>>
        tpu.enqueue_dma source(%dma_start3A_75 : memref<20000xi32, #tpu.memory_space<hbm>>) target(%arg8 : memref<20000xi32, #tpu.memory_space<vmem>>) target_semaphore(%arg12 : memref<!tpu.dma_semaphore, #tpu.memory_space<semaphore_mem>>)
      } else {
      }
    }
    %scan3A_22 = arith.constant 5 : i32
    %run_scoped3A = arith.constant 0 : i32
    "tpu.region"() ({
      %run_scoped3A_24 = tpu.sem_alloc : memref<!tpu.dma_semaphore, #tpu.memory_space<semaphore_mem>>
      %dma_start3A_25 = arith.constant 0 : i32
      %dma_start3A_26 = tpu.memref_slice %arg4[%run_scoped3A, %add3A, %dma_start3A_25] : memref<2x32x4096xf32, #tpu.memory_space<hbm>> -> memref<1x1x4096xf32, #tpu.memory_space<hbm>>
      %dma_start3A_27 = tpu.memref_squeeze %dma_start3A_26 : memref<1x1x4096xf32, #tpu.memory_space<hbm>> -> memref<4096xf32, #tpu.memory_space<hbm>>
      %dma_start3A_28 = arith.constant 0 : i32
      %dma_start3A_29 = tpu.memref_slice %arg4[%run_scoped3A, %add3A, %dma_start3A_28] : memref<2x32x4096xf32, #tpu.memory_space<hbm>> -> memref<1x1x4096xf32, #tpu.memory_space<hbm>>
      %dma_start3A_30 = tpu.memref_squeeze %dma_start3A_29 : memref<1x1x4096xf32, #tpu.memory_space<hbm>> -> memref<4096xf32, #tpu.memory_space<hbm>>
      tpu.enqueue_dma source(%arg9 : memref<4096xf32, #tpu.memory_space<vmem>>) target(%dma_start3A_30 : memref<4096xf32, #tpu.memory_space<hbm>>) target_semaphore(%run_scoped3A_24 : memref<!tpu.dma_semaphore, #tpu.memory_space<semaphore_mem>>)
      %dma_wait3A = arith.constant 0 : i32
      %dma_wait3A_31 = tpu.memref_slice %arg4[%run_scoped3A, %add3A, %dma_wait3A] : memref<2x32x4096xf32, #tpu.memory_space<hbm>> -> memref<1x1x4096xf32, #tpu.memory_space<hbm>>
      %dma_wait3A_32 = tpu.memref_squeeze %dma_wait3A_31 : memref<1x1x4096xf32, #tpu.memory_space<hbm>> -> memref<4096xf32, #tpu.memory_space<hbm>>
      %dma_wait3A_33 = arith.constant 0 : i32
      %dma_wait3A_34 = tpu.memref_slice %arg4[%run_scoped3A, %add3A, %dma_wait3A_33] : memref<2x32x4096xf32, #tpu.memory_space<hbm>> -> memref<1x1x4096xf32, #tpu.memory_space<hbm>>
      %dma_wait3A_35 = tpu.memref_squeeze %dma_wait3A_34 : memref<1x1x4096xf32, #tpu.memory_space<hbm>> -> memref<4096xf32, #tpu.memory_space<hbm>>
      tpu.wait_dma2 semaphore(%run_scoped3A_24 : memref<!tpu.dma_semaphore, #tpu.memory_space<semaphore_mem>>) src(%arg9 : memref<4096xf32, #tpu.memory_space<vmem>>) dst(%dma_wait3A_35 : memref<4096xf32, #tpu.memory_space<hbm>>)
      tpu.yield
    }) : () -> ()
    %run_scoped3A_23 = arith.constant 1 : i32
    "tpu.region"() ({
      %run_scoped3A_24 = tpu.sem_alloc : memref<!tpu.dma_semaphore, #tpu.memory_space<semaphore_mem>>
      %dma_start3A_25 = arith.constant 0 : i32
      %dma_start3A_26 = tpu.memref_slice %arg4[%run_scoped3A_23, %add3A, %dma_start3A_25] : memref<2x32x4096xf32, #tpu.memory_space<hbm>> -> memref<1x1x4096xf32, #tpu.memory_space<hbm>>
      %dma_start3A_27 = tpu.memref_squeeze %dma_start3A_26 : memref<1x1x4096xf32, #tpu.memory_space<hbm>> -> memref<4096xf32, #tpu.memory_space<hbm>>
      %dma_start3A_28 = arith.constant 0 : i32
      %dma_start3A_29 = tpu.memref_slice %arg4[%run_scoped3A_23, %add3A, %dma_start3A_28] : memref<2x32x4096xf32, #tpu.memory_space<hbm>> -> memref<1x1x4096xf32, #tpu.memory_space<hbm>>
      %dma_start3A_30 = tpu.memref_squeeze %dma_start3A_29 : memref<1x1x4096xf32, #tpu.memory_space<hbm>> -> memref<4096xf32, #tpu.memory_space<hbm>>
      tpu.enqueue_dma source(%arg10 : memref<4096xf32, #tpu.memory_space<vmem>>) target(%dma_start3A_30 : memref<4096xf32, #tpu.memory_space<hbm>>) target_semaphore(%run_scoped3A_24 : memref<!tpu.dma_semaphore, #tpu.memory_space<semaphore_mem>>)
      %dma_wait3A = arith.constant 0 : i32
      %dma_wait3A_31 = tpu.memref_slice %arg4[%run_scoped3A_23, %add3A, %dma_wait3A] : memref<2x32x4096xf32, #tpu.memory_space<hbm>> -> memref<1x1x4096xf32, #tpu.memory_space<hbm>>
      %dma_wait3A_32 = tpu.memref_squeeze %dma_wait3A_31 : memref<1x1x4096xf32, #tpu.memory_space<hbm>> -> memref<4096xf32, #tpu.memory_space<hbm>>
      %dma_wait3A_33 = arith.constant 0 : i32
      %dma_wait3A_34 = tpu.memref_slice %arg4[%run_scoped3A_23, %add3A, %dma_wait3A_33] : memref<2x32x4096xf32, #tpu.memory_space<hbm>> -> memref<1x1x4096xf32, #tpu.memory_space<hbm>>
      %dma_wait3A_35 = tpu.memref_squeeze %dma_wait3A_34 : memref<1x1x4096xf32, #tpu.memory_space<hbm>> -> memref<4096xf32, #tpu.memory_space<hbm>>
      tpu.wait_dma2 semaphore(%run_scoped3A_24 : memref<!tpu.dma_semaphore, #tpu.memory_space<semaphore_mem>>) src(%arg10 : memref<4096xf32, #tpu.memory_space<vmem>>) dst(%dma_wait3A_35 : memref<4096xf32, #tpu.memory_space<hbm>>)
      tpu.yield
    }) : () -> ()
    return
  }
}

module attributes {stable_mosaic.version = 14 : i64} {
  func.func @body(%arg0: memref<2x32x256x16xf32, #tpu.memory_space<vmem>>, %arg1: memref<200xf32, #tpu.memory_space<vmem>>, %arg2: memref<1x1xf32, #tpu.memory_space<vmem>>) attributes {dimension_semantics = [], scalar_prefetch = 0 : i64, scratch_operands = 0 : i64, tpu.core_type = #tpu.core_type<tc>} {
    %get3A = arith.constant 0 : index
    %get3A_0 = arith.constant 0 : index
    %get3A_1 = arith.constant 0 : index
    %get3A_2 = arith.constant 0 : index
    %get3A_3 = vector.load %arg0[%get3A, %get3A_0, %get3A_1, %get3A_2] : memref<2x32x256x16xf32, #tpu.memory_space<vmem>>, vector<1x32x256x16xf32>
    %get3A_4 = vector.shape_cast %get3A_3 : vector<1x32x256x16xf32> to vector<32x256x16xf32>
    %reduce_sum3A = arith.constant dense<0.000000e+00> : vector<32x256xf32>
    %reduce_sum3A_5 = vector.multi_reduction <add>, %get3A_4, %reduce_sum3A [2] : vector<32x256x16xf32> to vector<32x256xf32>
    %reduce_sum3A_6 = arith.constant dense<0.000000e+00> : vector<256xf32>
    %reduce_sum3A_7 = vector.multi_reduction <add>, %reduce_sum3A_5, %reduce_sum3A_6 [0] : vector<32x256xf32> to vector<256xf32>
    %reshape3A = vector.shape_cast %reduce_sum3A_7 : vector<256xf32> to vector<1x256xf32>
    %get3A_8 = arith.constant 1 : index
    %get3A_9 = arith.constant 0 : index
    %get3A_10 = arith.constant 0 : index
    %get3A_11 = arith.constant 0 : index
    %get3A_12 = vector.load %arg0[%get3A_8, %get3A_9, %get3A_10, %get3A_11] : memref<2x32x256x16xf32, #tpu.memory_space<vmem>>, vector<1x32x256x16xf32>
    %get3A_13 = vector.shape_cast %get3A_12 : vector<1x32x256x16xf32> to vector<32x256x16xf32>
    %reduce_sum3A_14 = arith.constant dense<0.000000e+00> : vector<32x256xf32>
    %reduce_sum3A_15 = vector.multi_reduction <add>, %get3A_13, %reduce_sum3A_14 [2] : vector<32x256x16xf32> to vector<32x256xf32>
    %reduce_sum3A_16 = arith.constant dense<0.000000e+00> : vector<256xf32>
    %reduce_sum3A_17 = vector.multi_reduction <add>, %reduce_sum3A_15, %reduce_sum3A_16 [0] : vector<32x256xf32> to vector<256xf32>
    %reshape3A_18 = vector.shape_cast %reduce_sum3A_17 : vector<256xf32> to vector<1x256xf32>
    %max3A = arith.constant 1.000000e+00 : f32
    %max3A_19 = vector.broadcast %max3A : f32 to vector<1x256xf32>
    %max3A_20 = arith.maximumf %reshape3A_18, %max3A_19 : vector<1x256xf32>
    %div3A = arith.divf %reshape3A, %max3A_20 : vector<1x256xf32>
    %get3A_21 = arith.constant 0 : index
    %get3A_22 = vector.load %arg1[%get3A_21] : memref<200xf32, #tpu.memory_space<vmem>>, vector<200xf32>
    %broadcast_in_dim3A = arith.constant 0.000000e+00 : f32
    %broadcast_in_dim3A_23 = vector.broadcast %broadcast_in_dim3A : f32 to vector<56xf32>
    %concatenate3A = tpu.concatenate %get3A_22, %broadcast_in_dim3A_23 in 0 : vector<200xf32>, vector<56xf32> -> vector<256xf32>
    %reshape3A_24 = vector.shape_cast %concatenate3A : vector<256xf32> to vector<1x256xf32>
    %sub3A = arith.subf %div3A, %reshape3A_24 : vector<1x256xf32>
    %iota3A = tpu.iota {dimensions = array<i32: 1>} : vector<1x256xi32>
    %lt3A = arith.constant 200 : i32
    %lt3A_25 = vector.broadcast %lt3A : i32 to vector<1x256xi32>
    %lt3A_26 = arith.cmpi slt, %iota3A, %lt3A_25 : vector<1x256xi32>
    %mul3A = arith.mulf %sub3A, %sub3A : vector<1x256xf32>
    %jit3A = arith.constant 0.000000e+00 : f32
    %broadcast_in_dim3A_27 = vector.broadcast %jit3A : f32 to vector<1x256xf32>
    %select_n3A = arith.select %lt3A_26, %mul3A, %broadcast_in_dim3A_27 : vector<1x256xi1>, vector<1x256xf32>
    %reduce_sum3A_28 = vector.shape_cast %select_n3A : vector<1x256xf32> to vector<1x1x256xf32>
    %reduce_sum3A_29 = arith.constant dense<0.000000e+00> : vector<1xf32>
    %reduce_sum3A_30 = vector.multi_reduction <add>, %reduce_sum3A_28, %reduce_sum3A_29 [1, 2] : vector<1x1x256xf32> to vector<1xf32>
    %reduce_sum3A_31 = vector.shape_cast %reduce_sum3A_30 : vector<1xf32> to vector<1x1x1xf32>
    %reduce_sum3A_32 = vector.extract %reduce_sum3A_31[0, 0, 0] : f32 from vector<1x1x1xf32>
    %mul3A_33 = arith.constant 5.000000e-06 : f32
    %mul3A_34 = arith.mulf %reduce_sum3A_32, %mul3A_33 : f32
    %broadcast_in_dim3A_35 = vector.broadcast %mul3A_34 : f32 to vector<1x1xf32>
    %swap3A = arith.constant 0 : index
    %swap3A_36 = arith.constant 0 : index
    %swap3A_37 = vector.load %arg2[%swap3A, %swap3A_36] : memref<1x1xf32, #tpu.memory_space<vmem>>, vector<1x1xf32>
    tpu.vector_store %arg2[%swap3A, %swap3A_36], %broadcast_in_dim3A_35 {strides = array<i32>} : memref<1x1xf32, #tpu.memory_space<vmem>>, vector<1x1xf32>,
    return
  }
}

</mosaic_0001>

<sc_bundles>
// kernel: kernel.4.cloned.1.call-start
scs
__scs_entry_jumppad:
0x0: {  	(pc) =	sbr.rel $0x88, $3  }
0x1: {  	(tag) =	ssettag $0x0;
	lr =	simm.s32 $0x1  }
0x2: {  	[smem:$0x3F9E] =	sst lr;
	_ =	strace $0xD0000000  }
0x3: {  	_ = 	snop  }
0x4: {  	_ = 	snop  }
0x5: {  	_ = 	snop  }
0x6: {  	_ = 	snop  }
0x7: {  	_ = 	snop  }
__scs_overlays_trampoline_lowered:
0x8: {  	[smem:$0x3FAD] =	sst s0  }
0x9: {  	[smem:$0x3FAE] =	sst s1  }
0xa: {  	[smem:$0x3FAF] =	sst s2  }
0xb: {  	[smem:$0x3FB0] =	sst s3  }
0xc: {  	[smem:$0x3FB1] =	sst s4  }
0xd: {  	[smem:$0x3FB2] =	sst s5  }
0xe: {  	[smem:$0x3FB3] =	sst s6  }
0xf: {  	[smem:$0x3FB4] =	sst s7  }
0x10: {  	[smem:$0x3FB5] =	sst s8  }
0x11: {  	[smem:$0x3FB6] =	sst s9;
	s0 =	simm.s32 @!p0 $0x0  }
0x12: {  	s1 =	sld [smem:$0x3F9C];
	s0 =	simm.s32 @p0 $0x1  }
0x13: {  	[smem:$0x3FB7] =	sst s0;
	s0 =	simm.s32 @!p1 $0x0  }
0x14: {  	s2 =	sld [smem:$0x3F9B];
	s0 =	simm.s32 @p1 $0x1  }
0x15: {  	[smem:$0x3FB8] =	sst s0;
	s0 =	simm.s32 @!p2 $0x0  }
0x16: {  	s3 =	sld [smem:$0x3FDB];
	s0 =	simm.s32 @p2 $0x1  }
0x17: {  	s4 =	simm.s32 $0x1BF5;
	[smem:$0x3FBA] =	sst s0  }
0x18: {  	s0 =	sld [smem:$0x3F9D];
	_ =	swait.ge [sflag:s4], $0x0  }
0x19: {  	s7 =	sld [smem:$0x3F9E]  }
0x1a: {  	s8 =	sadd.s32 $0xFFFFE003, lr  }
0x1b: {  	s9 =	sadd.s32 $0xFFFFFEF7, lr;
	s5 =	simm.s32 $0xFFFFFFFF;
	p2 =	slt.u32 s8, $0xFFFFF086  }
0x1c: {  	p1 =	slt.u32 s9, $0xF7A;
	s5 =	simm.s32 @!p2 $0x0  }
0x1d: {  	s5 =	simm.s32 @p1 $0x1;
	p0 =	seq.s32 s7, s2  }
0x1e: {  	s7 =	smul.u32 @!p0 $0xF7A, s2;
	p2 =	seq.s32 @!p0 s5, $0x0  }
0x1f: {  	s9 =	smul.u32 $0xF7A, s1;
	s8 =	simm.s32 @!p0 $0x1BF5;
	p2 =	por !p2, p0  }
0x20: {  	[sflag:s8] =	ssyncset.s32 @!p0 $0xFFFFF086;
	s6 =	sadd.s32 @!p0 s3, s7;
	s7 =	simm.s32 @!p0 $0x108  }
0x21: {  	s3 =	sadd.s32 s3, s9;
	s6 =	sadd.s32 @!p0 $0x88, s6;
	s7 =	simm.s32 @p2 $0x1082  }
0x22: {  	[simem:s7], [sflag:s8] =	dma.local @!p0 [hbm:s6], $0xF7A  }
0x23: {  	s9 =	sor.u32 $0xD0000000, s2;
	s6 =	simm.s32 $0x108;
	_ =	swait.ge @!p0 [sflag:s8], $0x0  }
0x24: {  	s3 =	sadd.s32 $0x88, s3;
	s6 =	simm.s32 @!p1 $0x1082;
	[sflag:s4] =	ssyncset.s32 $0xFFFFF086  }
0x25: {  	[simem:s6], [sflag:s4] =	dma.local [hbm:s3], $0xF7A  }
0x26: {  	[smem:$0x3F9E] =	sst s1;
	(tag) =	ssettag s2;
	_ =	strace s9  }
0x27: {  	s1 =	sld [smem:$0x3FAE]  }
0x28: {  	s2 =	sld [smem:$0x3FAF]  }
0x29: {  	s4 =	sld [smem:$0x3FB1]  }
0x2a: {  	p0 =	seq.s32 s5, $0x0;
	s5 =	sld [smem:$0x3FB2]  }
0x2b: {  	s6 =	sld [smem:$0x3FB3]  }
0x2c: {  	s7 =	sld [smem:$0x3FB4]  }
0x2d: {  	s3 =	simm.s32 $0x108;
	s8 =	sld [smem:$0x3FB5]  }
0x2e: {  	s3 =	simm.s32 @!p0 $0x1082;
	s9 =	sld [smem:$0x3FB6]  }
0x2f: {  	lr =	sadd.s32 s0, s3;
	s0 =	sld [smem:$0x3FAD]  }
0x30: {  	s3 =	sld [smem:$0x3FB0]  }
0x31: {  	[smem:$0x3FB9] =	sst s10  }
0x32: {  	s10 =	sld [smem:$0x3FB7];
	_ =	sdelay $0x3  }
0x33: {  	p0 =	seq.s32 s10, $0x1;
	s10 =	sld [smem:$0x3FB9];
	_ =	sdelay $0x3  }
0x34: {  	[smem:$0x3FB9] =	sst s10  }
0x35: {  	s10 =	sld [smem:$0x3FB8];
	_ =	sdelay $0x3  }
0x36: {  	p1 =	seq.s32 s10, $0x1;
	s10 =	sld [smem:$0x3FB9];
	_ =	sdelay $0x3  }
0x37: {  	[smem:$0x3FB9] =	sst s10  }
0x38: {  	s10 =	sld [smem:$0x3FBA]  }
0x39: {  	_ = 	snop;
	(pc) =	sbr.ind lr, $3  }
0x3a: {  	_ = 	snop  }
0x3b: {  	_ = 	snop  }
0x3c: {  	p2 =	seq.s32 s10, $0x1;
	s10 =	sld [smem:$0x3FB9]  }
0x3d: {  	_ =	shalt  }
0x3e: {  	_ =	shalt  }
0x3f: {  	_ =	shalt  }
0x40: {  	_ =	shalt  }
0x41: {  	_ =	shalt  }
0x42: {  	_ =	shalt  }
0x43: {  	_ =	shalt  }
0x44: {  	_ =	shalt  }
0x45: {  	_ =	shalt  }
0x46: {  	_ =	shalt  }
0x47: {  	_ =	shalt  }
0x48: {  	_ =	shalt  }
0x49: {  	_ =	shalt  }
0x4a: {  	_ =	shalt  }
0x4b: {  	_ =	shalt  }
0x4c: {  	_ =	shalt  }
0x4d: {  	_ =	shalt  }
0x4e: {  	_ =	shalt  }
0x4f: {  	_ =	shalt  }
0x50: {  	_ =	shalt  }
0x51: {  	_ =	shalt  }
0x52: {  	_ =	shalt  }
0x53: {  	_ =	shalt  }
0x54: {  	_ =	shalt  }
0x55: {  	_ =	shalt  }
0x56: {  	_ =	shalt  }
0x57: {  	_ =	shalt  }
0x58: {  	_ =	shalt  }
0x59: {  	_ =	shalt  }
0x5a: {  	_ =	shalt  }
0x5b: {  	_ =	shalt  }
0x5c: {  	_ =	shalt  }
0x5d: {  	_ =	shalt  }
0x5e: {  	_ =	shalt  }
0x5f: {  	_ =	shalt  }
0x60: {  	_ =	shalt  }
0x61: {  	_ =	shalt  }
0x62: {  	_ =	shalt  }
0x63: {  	_ =	shalt  }
0x64: {  	_ =	shalt  }
0x65: {  	_ =	shalt  }
0x66: {  	_ =	shalt  }
0x67: {  	_ =	shalt  }
0x68: {  	_ =	shalt  }
0x69: {  	_ =	shalt  }
0x6a: {  	_ =	shalt  }
0x6b: {  	_ =	shalt  }
0x6c: {  	_ =	shalt  }
0x6d: {  	_ =	shalt  }
0x6e: {  	_ =	shalt  }
0x6f: {  	_ =	shalt  }
0x70: {  	_ =	shalt  }
0x71: {  	_ =	shalt  }
0x72: {  	_ =	shalt  }
0x73: {  	_ =	shalt  }
0x74: {  	_ =	shalt  }
0x75: {  	_ =	shalt  }
0x76: {  	_ =	shalt  }
0x77: {  	_ =	shalt  }
0x78: {  	_ =	shalt  }
0x79: {  	_ =	shalt  }
0x7a: {  	_ =	shalt  }
0x7b: {  	_ =	shalt  }
0x7c: {  	_ =	shalt  }
0x7d: {  	_ =	shalt  }
0x7e: {  	_ =	shalt  }
0x7f: {  	_ =	shalt  }
0x80: {  	_ =	shalt  }
0x81: {  	_ =	shalt  }
0x82: {  	_ =	shalt  }
0x83: {  	_ =	shalt  }
0x84: {  	_ =	shalt  }
0x85: {  	_ =	shalt  }
0x86: {  	_ =	shalt  }
0x87: {  	_ =	shalt  }
.Lfunc_end0:
.L_simem_size_0:
called_computation_lowered:
.L_overlay_start_0:
0x88: {  	s2 =	sld [smem:$0x3FD9]  }
0x89: {  	s3 =	sld [smem:$0x3FFE];
	_ =	sdelay $0x1  }
0x8a: {  	s1 =	srdreg.scid  }
0x8b: {  	s0 =	sand.u32 $0x1, s1  }
0x8c: {  	s17 =	sshll.u32 s0, $0xA;
	s2 =	sadd.s32 s3, s2  }
0x8d: {  	s2 =	sadd.s32 s2, s17  }
0x8e: {  	[smem:$0x3FC5] =	sst s2  }
0x8f: {  	_ = 	snop  }
0x90: {  	s2 =	sld [smem:$0x3FC9]  }
0x91: {  	s18 =	sld [smem:$0x3FC8];
	(tm) =	ssettm $0x1  }
0x92: {  	s4 =	sld [smem:$0x3FFB];
	_ =	sdelay $0x3  }
0x93: {  	_ =	strace s4  }
0x94: {  	s4 =	sld [smem:$0x3FFC];
	_ =	sdelay $0x3  }
0x95: {  	_ =	strace s4  }
0x96: {  	s4 =	sld [smem:$0x3FFD];
	_ =	sdelay $0x3  }
0x97: {  	_ =	strace s4  }
0x98: {  	_ =	strace $0x8FFFFFFF  }
0x99: {  	s19 =	sld [smem:$0x3FDB];
	_ =	sdelay $0x1  }
0x9a: {  	s5 =	simm.s32 $_scs_section_size  }
0x9b: {  	s6 =	simm.s32 $_size__tile_overlayer_lowered;
	s7 =	simm.s32 $_tile_overlayer_lowered  }
0x9c: {  	s22 =	simm.s32 $0x1BFF;
	s21 =	sshll.u32 s7, $0x1;
	s4 =	sadd.s32 s5, s19  }
0x9d: {  	s8 =	simm.s32 $0x0;
	s20 =	sshll.u32 s6, $0x1;
	s6 =	sadd.s32 s21, s4  }
0x9e: {  	[timem:s8], [sflag:s22] =	dma.local [hbm:s6], s20  }
0x9f: {  	_ =	swait.ge [sflag:s22], s20  }
0xa0: {  	s5 =	ssub.s32 $0x0, s20;
	[sflag:s22] =	ssyncset.done $0x0  }
0xa1: {  	[sflag:s22] =	ssyncadd.s32 s5;
	_ =	sdelay $0x1  }
0xa2: {  	s23 =	simm.s32 $0x1B8B  }
0xa3: {  	_ =	swait.ge [sflag:s23], $0x1  }
0xa4: {  	[sflag:s23] =	ssyncset.done $0x0  }
0xa5: {  	s25 =	simm.s32 $0x1B8E;
	s24 =	sld [smem:$0x3FFE];
	[sflag:s23] =	ssyncadd.s32 $0xFFFFFFFF  }
0xa6: {  	s26 =	simm.s32 $execute0_lowered;
	[smem:$0x3FD2] =	sst s25  }
0xa7: {  	s6 =	sshll.u32 s26, $0x1;
	_ =	strace $0x80000046;
	[dreg:$0x1] =	wrdreg $0xFFFFFFFF  }
0xa8: {  	s28 =	simm.s32 $_size_execute0_lowered;
	s4 =	sadd.s32 s4, s6;
	[dreg:$0x0] =	wrdreg $0x0  }
0xa9: {  	s6 =	sshll.u32 s28, $0x1;
	[dreg:$0x2] =	wrdreg s4  }
0xaa: {  	[dreg:$0x3] =	wrdreg s6  }
0xab: {  	[dreg:$0x4] =	wrdreg $0xC0  }
0xac: {  	_ =	task [dreg:s8], $0x5FFFF  }
0xad: {  	[dreg:$0x1] =	wrdreg $0xFFFFFFFF  }
0xae: {  	[dreg:$0x0] =	wrdreg $0x60  }
0xaf: {  	[dreg:$0x2] =	wrdreg s2  }
0xb0: {  	[dreg:$0x3] =	wrdreg s18  }
0xb1: {  	[dreg:$0x4] =	wrdreg s24  }
0xb2: {  	[dreg:$0x5] =	wrdreg $0x9  }
0xb3: {  	_ =	task.clear_ibuf [dreg:s8], $0x6FFFF;
	_ =	strace $0x90000046  }
0xb4: {  	s29 =	simm.s32 $0x9;
	_ =	strace $0x80000048  }
0xb5: {  	_ =	swait.ge [sflag:s29], $0x1  }
0xb6: {  	[sflag:s29] =	ssyncadd.s32 $0xFFFFFFFF  }
0xb7: {  	_ =	strace $0x90000048  }
0xb8: {  	_ =	sfence  }
0xb9: {  	s30 =	sld [smem:$0x0];
	_ =	sdelay $0x2  }
0xba: {  	s31 =	sshll.u32 s1, $0xD;
	s1 =	sshrl.u32 s1, $0x2  }
0xbb: {  	s3 =	sand.u32 $0x4000, s31;
	s1 =	sadd.s32 s1, s30  }
0xbc: {  	s0 =	sor.u32 s3, s0;
	s1 =	sshll.u32 s1, $0x11  }
0xbd: {  	s0 =	sor.u32 s1, s0  }
0xbe: {  	s0 =	sadd.s32 $0x8F2B, s0  }
0xbf: {  	[sflag:s0] =	ssyncadd.remote.s32 $0x1  }
0xc0: {  	_ =	sfence.sel $0xFFFF  }
0xc1: {  	[dreg:$0x0] =	wrdreg $0xFFFFFFFF;
	(pc) =	sbr.abs _section_cstart, $3  }
0xc2: {  	[dreg:$0x1] =	wrdreg $0xFFFFFFFF  }
0xc3: {  	_ =	task.clear_ibuf [dreg:s8], $0x2FFFF;
	_ =	strace $0x9FFFFFFF  }
0xc4: {  	(tm) =	ssettm $0x7FFFFFFF  }
0xc5: {  	_ =	shalt  }
tec
execute0_lowered:
.L_overlay_start_1:
0x0: {  	(tag) =	ssettag $0x1  }
0x1: {  	s1 =	rddreg [dreg:$0x0]  }
0x2: {  	s3 =	rddreg [dreg:$0x1]  }
0x3: {  	s2 =	srdreg.scid;
	s0 =	stileid.u32  }
0x4: {  	s5 =	rddreg [dreg:$0x2];
	s4 =	simm.s32 $0x0;
	s14 =	simm.s32 $0x9D00  }
0x5: {  	s15 =	simm.s32 $0x4E80;
	s16 =	simm.s32 $0xEB80;
	s17 =	simm.s32 $0x1  }
0x6: {  	s18 =	simm.s32 $0x13A00;
	s19 =	simm.s32 $0x14A00;
	s20 =	simm.s32 $0x2  }
0x7: {  	s21 =	simm.s32 $0x80;
	s22 =	simm.s32 $0x400;
	s23 =	simm.s32 $0x3  }
0x8: {  	s24 =	simm.s32 $0x0;
	s2 =	sand.u32 $0x1, s2;
	s6 =	sshll.u32 s0, $0x1  }
0x9: {  	[smem:$0x7FF] =	sst s4;
	s7 =	sshll.u32 s0, $0xA;
	s6 =	sor.u32 s2, s6  }
0xa: {  	s2 =	ssub.s32 $0x2, s2;
	_ =	strace $0x80000047;
	s8 =	sshll.u32 s6, $0x4  }
0xb: {  	s10 =	smul.u32 $0x30D40, s6;
	s29 =	sshrl.u32 s2, $0x1;
	s7 =	sor.u32 s7, s8  }
.Ltmp0:
0xc: {  	s2 =	ssub.s32 s2, s29;
	s28 =	sand.u32 $0x3070, s7;
	(pc) =	sbr.rel .LBB2_1-.Ltmp0, $4  }
0xd: {  	s30 =	sshrl.u32 s10, $0x3;
	s9 =	sadd.s32 $0x9C40, s10;
	s10 =	sadd.s32 $0xEA60, s10  }
0xe: {  	s13 =	smax.u32 s2, $0x1;
	s12 =	sadd.s32 s28, s5;
	s31 =	sadd.s32 $0x9C4, s30  }
0xf: {  	s5 =	sadd.s32 s1, s30;
	s6 =	sadd.s32 s3, s30;
	s7 =	sadd.s32 s1, s31  }
0x10: {  	v0 =	vimm.f32 $0.0e+00;
	v1 =	vlaneseq.u32;
	v2 =	vimm.f32 $1.000000000e+00;
	s8 =	sadd.s32 s3, s31;
	s11 =	sadd.s32 $0x600, s12;
	s12 =	sadd.s32 $0x4600, s12  }
.LBB2_12:
0x11: {  	[hbm4b:s11+s21] =	stream.strided.scatter [tilespmem:s18], [sflag:$0x3], $0x1000, s22, s21, $0x38;
	[tilespmem:$0x15A00] =	vst v63  }
0x12: {  	s24 =	sadd.s32 $0x1, s24;
	_ =	swait.ge [sflag:s23], $0x1000  }
0x13: {  	p0 =	sne.s32 s24, s13;
	[sflag:s23] =	ssyncset.done $0x0  }
.Ltmp1:
0x14: {  	[sflag:s23] =	ssyncadd.s32 $0xFFFFF000;
	(pc) =	sbr.rel @!p0 .LBB2_13-.Ltmp1, $4  }
0x15: {  	[hbm4b:s12+s21] =	stream.strided.scatter [tilespmem:s19], [sflag:$0x3], $0x1000, s22, s21, $0x38;
	[tilespmem:$0x15A00] =	vst v63  }
0x16: {  	_ =	swait.ge [sflag:s23], $0x1000  }
0x17: {  	[sflag:s23] =	ssyncset.done $0x0  }
0x18: {  	[sflag:s23] =	ssyncadd.s32 $0xFFFFF000  }
.LBB2_1:
0x19: {  	s2 =	simm.s32 $0x13A40  }
0x1a: {  	[tilespmem:s2+$0x30] =	vst v0  }
0x1b: {  	[tilespmem:s2+$0xFFFFFFF0] =	vst v0  }
0x1c: {  	[tilespmem:s2+$0xFFFFFFC0] =	vst v0  }
0x1d: {  	[tilespmem:s2+$0xFFFFFFE0] =	vst v0  }
0x1e: {  	[tilespmem:s2+$0x10] =	vst v0  }
0x1f: {  	[tilespmem:s2+$0x20] =	vst v0  }
0x20: {  	[tilespmem:s2+$0x0] =	vst v0  }
0x21: {  	s25 =	simm.s32 $0x14A40;
	[tilespmem:s2+$0xFFFFFFD0] =	vst v0  }
0x22: {  	[tilespmem:s25+$0xFFFFFFC0] =	vst v0  }
0x23: {  	[tilespmem:s25+$0x30] =	vst v0  }
0x24: {  	[tilespmem:s25+$0x20] =	vst v0  }
0x25: {  	[tilespmem:s25+$0x10] =	vst v0  }
0x26: {  	[tilespmem:s25+$0xFFFFFFE0] =	vst v0  }
0x27: {  	[tilespmem:s25+$0x0] =	vst v0  }
0x28: {  	s26 =	simm.s32 $0x0;
	[tilespmem:s25+$0xFFFFFFF0] =	vst v0  }
.LBB2_2:
0x29: {  	s26 =	sadd.s32 $0x80, s26;
	[tilespmem:s25+$0xFFFFFFD0] =	vst v0;
	s2 =	sadd.s32 $0x80, s2;
	s25 =	sadd.s32 $0x80, s25  }
0x2a: {  	[tilespmem:s2+$0x30] =	vst v0;
	p0 =	slt.u32 s26, $0xF80  }
0x2b: {  	[tilespmem:s2+$0xFFFFFFF0] =	vst v0  }
0x2c: {  	[tilespmem:s2+$0xFFFFFFC0] =	vst v0  }
0x2d: {  	[tilespmem:s25+$0xFFFFFFC0] =	vst v0  }
0x2e: {  	[tilespmem:s25+$0x30] =	vst v0  }
0x2f: {  	[tilespmem:s2+$0xFFFFFFE0] =	vst v0  }
0x30: {  	[tilespmem:s2+$0x10] =	vst v0  }
0x31: {  	[tilespmem:s2+$0x20] =	vst v0  }
0x32: {  	[tilespmem:s25+$0x20] =	vst v0  }
0x33: {  	[tilespmem:s25+$0x10] =	vst v0  }
.Ltmp2:
0x34: {  	[tilespmem:s25+$0xFFFFFFE0] =	vst v0;
	(pc) =	sbr.rel @p0 .LBB2_2-.Ltmp2, $4  }
0x35: {  	[tilespmem:s2+$0x0] =	vst v0  }
0x36: {  	[tilespmem:s25+$0x0] =	vst v0  }
0x37: {  	[tilespmem:s25+$0xFFFFFFF0] =	vst v0  }
0x38: {  	[tilespmem:s2+$0xFFFFFFD0] =	vst v0  }
0x39: {  	[tilespmem:s25+$0xFFFFFFD0] =	vst v0;
	s25 =	simm.s32 $0x0  }
0x3a: {  	[tilespmem:s25], [sflag:$0x1] =	stream.linear.gather [hbm4b:s5+s25], $0x4E20, $0x38;
	[tilespmem:$0x15A00] =	vst v63  }
0x3b: {  	_ = 	snop  }
0x3c: {  	[tilespmem:s14], [sflag:$0x1] =	stream.linear.gather [hbm4b:s6+s25], $0x4E20, $0x38;
	[tilespmem:$0x15A00] =	vst v63  }
0x3d: {  	_ = 	snop  }
0x3e: {  	[tilespmem:s15], [sflag:$0x2] =	stream.linear.gather [hbm4b:s7+s25], $0x4E20, $0x38;
	[tilespmem:$0x15A00] =	vst v63  }
0x3f: {  	_ = 	snop  }
0x40: {  	[tilespmem:s16], [sflag:$0x2] =	stream.linear.gather [hbm4b:s8+s25], $0x4E20, $0x38;
	[tilespmem:$0x15A00] =	vst v63  }
.LBB2_4:
0x41: {  	_ =	swait.ge [sflag:s17], $0x4E20  }
0x42: {  	[sflag:s17] =	ssyncset.done $0x0  }
0x43: {  	[sflag:s17] =	ssyncadd.s32 $0xFFFFB1E0  }
0x44: {  	_ =	swait.ge [sflag:s17], $0x4E20  }
0x45: {  	[sflag:s17] =	ssyncset.done $0x0  }
0x46: {  	s2 =	simm.s32 $0x9D40;
	[sflag:s17] =	ssyncadd.s32 $0xFFFFB1E0  }
0x47: {  	v3 =	vld [tilespmem:s2+$0x30]  }
0x48: {  	v4 =	vld [tilespmem:s2+$0xFFFFFFC0]  }
0x49: {  	v5 =	vld [tilespmem:s2+$0xFFFFFFD0]  }
0x4a: {  	v6 =	vld [tilespmem:s2+$0xFFFFFFE0]  }
0x4b: {  	v7 =	vld [tilespmem:s2+$0xFFFFFFF0]  }
0x4c: {  	s26 =	simm.s32 $0x40;
	v8 =	vld [tilespmem:s2+$0x0]  }
0x4d: {  	v9 =	vld [tilespmem:s26+$0x30]  }
0x4e: {  	v10 =	vld [tilespmem:s2+$0x10]  }
0x4f: {  	v11 =	vld [tilespmem:s2+$0x20]  }
0x50: {  	v12 =	vld [tilespmem:s26+$0xFFFFFFD0]  }
0x51: {  	v13 =	vld [tilespmem:s26+$0xFFFFFFE0];
	v3 =	vshll.u32 v3, $0x4  }
0x52: {  	v60 =	vld [tilespmem:s26+$0xFFFFFFF0];
	v6 =	vshll.u32 v6, $0x4;
	v3 =	vor.u32 v1, v3  }
0x53: {  	v61 =	vld [tilespmem:s26+$0x0];
	v6 =	vor.u32 v1, v6  }
0x54: {  	v14 =	vld [tilespmem:s26+$0x10];
	v4 =	vshll.u32 v4, $0x4  }
0x55: {  	v16 =	vld [tilespmem:s26+$0xFFFFFFC0];
	v7 =	vshll.u32 v7, $0x4;
	v4 =	vor.u32 v1, v4  }
0x56: {  	v15 =	vld [tilespmem:s26+$0x20];
	v7 =	vor.u32 v1, v7  }
0x57: {  	[tilespmem:v3+s18+$0x0] =	vst.idx.add.f32.msk $0xffff, v9  }
0x58: {  	v5 =	vshll.u32 v5, $0x4;
	[tilespmem:v6+s18+$0x0] =	vst.idx.add.f32.msk $0xffff, v13  }
0x59: {  	[tilespmem:v3+s19+$0x0] =	vst.idx.add.f32.msk $0xffff, v2;
	v3 =	vor.u32 v1, v5  }
0x5a: {  	[tilespmem:v4+s18+$0x0] =	vst.idx.add.f32.msk $0xffff, v16  }
0x5b: {  	v62 =	vshll.u32 v10, $0x4;
	[tilespmem:v7+s18+$0x0] =	vst.idx.add.f32.msk $0xffff, v60  }
0x5c: {  	v63 =	vshll.u32 v11, $0x4;
	[tilespmem:v6+s19+$0x0] =	vst.idx.add.f32.msk $0xffff, v2;
	v6 =	vor.u32 v1, v62  }
0x5d: {  	[tilespmem:v4+s19+$0x0] =	vst.idx.add.f32.msk $0xffff, v2;
	v4 =	vor.u32 v1, v63  }
0x5e: {  	[tilespmem:v3+s18+$0x0] =	vst.idx.add.f32.msk $0xffff, v12  }
0x5f: {  	[tilespmem:v3+s19+$0x0] =	vst.idx.add.f32.msk $0xffff, v2;
	v3 =	vshll.u32 v8, $0x4  }
0x60: {  	[tilespmem:v7+s19+$0x0] =	vst.idx.add.f32.msk $0xffff, v2;
	v3 =	vor.u32 v1, v3  }
0x61: {  	[tilespmem:v6+s18+$0x0] =	vst.idx.add.f32.msk $0xffff, v14  }
0x62: {  	[tilespmem:v4+s18+$0x0] =	vst.idx.add.f32.msk $0xffff, v15  }
0x63: {  	[tilespmem:v6+s19+$0x0] =	vst.idx.add.f32.msk $0xffff, v2  }
0x64: {  	[tilespmem:v4+s19+$0x0] =	vst.idx.add.f32.msk $0xffff, v2  }
0x65: {  	s31 =	simm.s32 $0x0;
	s28 =	simm.s32 $0x4DF0;
	[tilespmem:v3+s18+$0x0] =	vst.idx.add.f32.msk $0xffff, v61  }
0x66: {  	s29 =	simm.s32 $0xEB00;
	s30 =	simm.s32 $0x4E00;
	s2 =	simm.s32 $0x9DC0;
	[tilespmem:v3+s19+$0x0] =	vst.idx.add.f32.msk $0xffff, v2  }
.LBB2_5:
0x67: {  	v3 =	vld [tilespmem:s2+$0x30]  }
0x68: {  	s31 =	sadd.s32 $0x80, s31;
	v4 =	vld [tilespmem:s2+$0xFFFFFFC0]  }
0x69: {  	p0 =	slt.u32 s31, $0x4D80;
	v5 =	vld [tilespmem:s2+$0xFFFFFFD0]  }
0x6a: {  	v6 =	vld [tilespmem:s2+$0xFFFFFFE0]  }
0x6b: {  	v7 =	vld [tilespmem:s2+$0xFFFFFFF0]  }
0x6c: {  	s26 =	sadd.s32 $0x80, s26;
	v8 =	vld [tilespmem:s2+$0x0];
	v3 =	vshll.u32 v3, $0x4  }
0x6d: {  	v4 =	vshll.u32 v4, $0x4;
	v9 =	vld [tilespmem:s26+$0x30];
	v3 =	vor.u32 v1, v3  }
0x6e: {  	v4 =	vor.u32 v1, v4;
	v5 =	vshll.u32 v5, $0x4;
	v10 =	vld [tilespmem:s2+$0x10]  }
0x6f: {  	v5 =	vor.u32 v1, v5;
	v6 =	vshll.u32 v6, $0x4;
	v11 =	vld [tilespmem:s2+$0x20]  }
0x70: {  	v12 =	vld [tilespmem:s26+$0xFFFFFFD0];
	v6 =	vor.u32 v1, v6;
	v7 =	vshll.u32 v7, $0x4  }
0x71: {  	v13 =	vld [tilespmem:s26+$0xFFFFFFE0];
	v7 =	vor.u32 v1, v7;
	v8 =	vshll.u32 v8, $0x4  }
0x72: {  	v8 =	vor.u32 v1, v8;
	[tilespmem:v3+s18+$0x0] =	vst.idx.add.f32.msk $0xffff, v9  }
0x73: {  	v9 =	vshll.u32 v10, $0x4;
	[tilespmem:v3+s19+$0x0] =	vst.idx.add.f32.msk $0xffff, v2  }
0x74: {  	v3 =	vld [tilespmem:s26+$0xFFFFFFF0];
	v9 =	vor.u32 v1, v9;
	v10 =	vshll.u32 v11, $0x4  }
0x75: {  	v11 =	vld [tilespmem:s26+$0x0];
	v10 =	vor.u32 v1, v10  }
0x76: {  	v14 =	vld [tilespmem:s26+$0x10]  }
0x77: {  	v15 =	vld [tilespmem:s26+$0x20]  }
0x78: {  	v16 =	vld [tilespmem:s26+$0xFFFFFFC0]  }
0x79: {  	[tilespmem:v5+s18+$0x0] =	vst.idx.add.f32.msk $0xffff, v12  }
0x7a: {  	[tilespmem:v5+s19+$0x0] =	vst.idx.add.f32.msk $0xffff, v2  }
0x7b: {  	[tilespmem:v6+s18+$0x0] =	vst.idx.add.f32.msk $0xffff, v13  }
0x7c: {  	[tilespmem:v6+s19+$0x0] =	vst.idx.add.f32.msk $0xffff, v2  }
0x7d: {  	[tilespmem:v4+s18+$0x0] =	vst.idx.add.f32.msk $0xffff, v16  }
0x7e: {  	[tilespmem:v4+s19+$0x0] =	vst.idx.add.f32.msk $0xffff, v2  }
0x7f: {  	[tilespmem:v7+s18+$0x0] =	vst.idx.add.f32.msk $0xffff, v3  }
0x80: {  	[tilespmem:v7+s19+$0x0] =	vst.idx.add.f32.msk $0xffff, v2  }
0x81: {  	[tilespmem:v8+s18+$0x0] =	vst.idx.add.f32.msk $0xffff, v11  }
.Ltmp3:
0x82: {  	[tilespmem:v8+s19+$0x0] =	vst.idx.add.f32.msk $0xffff, v2;
	(pc) =	sbr.rel @p0 .LBB2_5-.Ltmp3, $4  }
0x83: {  	[tilespmem:v9+s18+$0x0] =	vst.idx.add.f32.msk $0xffff, v14  }
0x84: {  	[tilespmem:v9+s19+$0x0] =	vst.idx.add.f32.msk $0xffff, v2  }
0x85: {  	[tilespmem:v10+s18+$0x0] =	vst.idx.add.f32.msk $0xffff, v15  }
0x86: {  	s2 =	sadd.s32 $0x80, s2;
	[tilespmem:v10+s19+$0x0] =	vst.idx.add.f32.msk $0xffff, v2  }
.LBB2_6:
0x87: {  	v3 =	vld [tilespmem:s29+$0x0];
	_ =	sdelay $0x4  }
0x88: {  	v3 =	vshll.u32 v3, $0x4  }
0x89: {  	v4 =	vld [tilespmem:s30+$0x0];
	s28 =	sadd.s32 $0x10, s28;
	v3 =	vor.u32 v1, v3  }
0x8a: {  	p0 =	slt.u32 s28, $0x4E10  }
.Ltmp4:
0x8b: {  	_ = 	snop;
	(pc) =	sbr.rel @p0 .LBB2_6-.Ltmp4, $3  }
0x8c: {  	_ =	sdelay $0x1  }
0x8d: {  	[tilespmem:v3+s18+$0x0] =	vst.idx.add.f32.msk $0xffff, v4  }
0x8e: {  	s29 =	sadd.s32 $0x10, s29;
	s30 =	sadd.s32 $0x10, s30;
	[tilespmem:v3+s19+$0x0] =	vst.idx.add.f32.msk $0xffff, v2  }
0x8f: {  	p0 =	seq.s32 s25, $0x4  }
0x90: {  	s2 =	smul.u32 @!p0 $0x9C40, s25;
	_ =	sdelay $0x1  }
0x91: {  	s2 =	sadd.s32 @!p0 s2, s9  }
0x92: {  	s2 =	sshrl.u32 @!p0 s2, $0x3  }
0x93: {  	s28 =	simm.s32 @!p0 $0x0;
	s26 =	sadd.s32 @!p0 s1, s2  }
0x94: {  	[tilespmem:s28], [sflag:$0x1] =	stream.linear.gather @!p0 [hbm4b:s26+s28], $0x4E20, $0x38;
	[tilespmem:$0x15A00] =	vst v63  }
0x95: {  	s2 =	sadd.s32 @!p0 s3, s2;
	s26 =	simm.s32 @!p0 $0x9D00  }
0x96: {  	[tilespmem:s26], [sflag:$0x1] =	stream.linear.gather @!p0 [hbm4b:s2+s28], $0x4E20, $0x38;
	[tilespmem:$0x15A00] =	vst v63  }
0x97: {  	_ =	swait.ge [sflag:s20], $0x4E20  }
0x98: {  	[sflag:s20] =	ssyncset.done $0x0  }
0x99: {  	[sflag:s20] =	ssyncadd.s32 $0xFFFFB1E0  }
0x9a: {  	_ =	swait.ge [sflag:s20], $0x4E20  }
0x9b: {  	[sflag:s20] =	ssyncset.done $0x0  }
0x9c: {  	s2 =	simm.s32 $0xEBC0;
	[sflag:s20] =	ssyncadd.s32 $0xFFFFB1E0  }
0x9d: {  	v3 =	vld [tilespmem:s2+$0x30]  }
0x9e: {  	v4 =	vld [tilespmem:s2+$0xFFFFFFC0]  }
0x9f: {  	v5 =	vld [tilespmem:s2+$0xFFFFFFD0]  }
0xa0: {  	v6 =	vld [tilespmem:s2+$0xFFFFFFE0]  }
0xa1: {  	v7 =	vld [tilespmem:s2+$0xFFFFFFF0]  }
0xa2: {  	s26 =	simm.s32 $0x4EC0;
	v8 =	vld [tilespmem:s2+$0x0]  }
0xa3: {  	v9 =	vld [tilespmem:s26+$0x30]  }
0xa4: {  	v10 =	vld [tilespmem:s2+$0x10]  }
0xa5: {  	v11 =	vld [tilespmem:s2+$0x20]  }
0xa6: {  	v12 =	vld [tilespmem:s26+$0xFFFFFFD0]  }
0xa7: {  	v13 =	vld [tilespmem:s26+$0xFFFFFFE0];
	v3 =	vshll.u32 v3, $0x4  }
0xa8: {  	v60 =	vld [tilespmem:s26+$0xFFFFFFF0];
	v6 =	vshll.u32 v6, $0x4;
	v3 =	vor.u32 v1, v3  }
0xa9: {  	v61 =	vld [tilespmem:s26+$0x0];
	v6 =	vor.u32 v1, v6  }
0xaa: {  	v14 =	vld [tilespmem:s26+$0x10];
	v4 =	vshll.u32 v4, $0x4  }
0xab: {  	v16 =	vld [tilespmem:s26+$0xFFFFFFC0];
	v7 =	vshll.u32 v7, $0x4;
	v4 =	vor.u32 v1, v4  }
0xac: {  	v15 =	vld [tilespmem:s26+$0x20];
	v7 =	vor.u32 v1, v7  }
0xad: {  	[tilespmem:v3+s18+$0x0] =	vst.idx.add.f32.msk $0xffff, v9  }
0xae: {  	v5 =	vshll.u32 v5, $0x4;
	[tilespmem:v6+s18+$0x0] =	vst.idx.add.f32.msk $0xffff, v13  }
0xaf: {  	[tilespmem:v3+s19+$0x0] =	vst.idx.add.f32.msk $0xffff, v2;
	v3 =	vor.u32 v1, v5  }
0xb0: {  	[tilespmem:v4+s18+$0x0] =	vst.idx.add.f32.msk $0xffff, v16  }
0xb1: {  	v62 =	vshll.u32 v10, $0x4;
	[tilespmem:v7+s18+$0x0] =	vst.idx.add.f32.msk $0xffff, v60  }
0xb2: {  	v63 =	vshll.u32 v11, $0x4;
	[tilespmem:v6+s19+$0x0] =	vst.idx.add.f32.msk $0xffff, v2;
	v6 =	vor.u32 v1, v62  }
0xb3: {  	[tilespmem:v4+s19+$0x0] =	vst.idx.add.f32.msk $0xffff, v2;
	v4 =	vor.u32 v1, v63  }
0xb4: {  	[tilespmem:v3+s18+$0x0] =	vst.idx.add.f32.msk $0xffff, v12  }
0xb5: {  	[tilespmem:v3+s19+$0x0] =	vst.idx.add.f32.msk $0xffff, v2;
	v3 =	vshll.u32 v8, $0x4  }
0xb6: {  	[tilespmem:v7+s19+$0x0] =	vst.idx.add.f32.msk $0xffff, v2;
	v3 =	vor.u32 v1, v3  }
0xb7: {  	[tilespmem:v6+s18+$0x0] =	vst.idx.add.f32.msk $0xffff, v14  }
0xb8: {  	[tilespmem:v4+s18+$0x0] =	vst.idx.add.f32.msk $0xffff, v15  }
0xb9: {  	[tilespmem:v6+s19+$0x0] =	vst.idx.add.f32.msk $0xffff, v2  }
0xba: {  	[tilespmem:v4+s19+$0x0] =	vst.idx.add.f32.msk $0xffff, v2  }
0xbb: {  	s30 =	simm.s32 $0x0;
	[tilespmem:v3+s18+$0x0] =	vst.idx.add.f32.msk $0xffff, v61  }
0xbc: {  	s29 =	simm.s32 $0x9C80;
	s31 =	simm.s32 $0xEC40;
	s28 =	simm.s32 $0x13980;
	[tilespmem:v3+s19+$0x0] =	vst.idx.add.f32.msk $0xffff, v2  }
.LBB2_8:
0xbd: {  	v3 =	vld [tilespmem:s31+$0x30]  }
0xbe: {  	s30 =	sadd.s32 $0x80, s30;
	v4 =	vld [tilespmem:s31+$0xFFFFFFC0]  }
0xbf: {  	p1 =	slt.u32 s30, $0x4D80;
	v5 =	vld [tilespmem:s31+$0xFFFFFFD0]  }
0xc0: {  	v6 =	vld [tilespmem:s31+$0xFFFFFFE0]  }
0xc1: {  	v7 =	vld [tilespmem:s31+$0xFFFFFFF0]  }
0xc2: {  	s26 =	sadd.s32 $0x80, s26;
	v8 =	vld [tilespmem:s31+$0x0];
	v3 =	vshll.u32 v3, $0x4  }
0xc3: {  	v4 =	vshll.u32 v4, $0x4;
	v9 =	vld [tilespmem:s26+$0x30];
	v3 =	vor.u32 v1, v3  }
0xc4: {  	v4 =	vor.u32 v1, v4;
	v5 =	vshll.u32 v5, $0x4;
	v10 =	vld [tilespmem:s31+$0x10]  }
0xc5: {  	v5 =	vor.u32 v1, v5;
	v6 =	vshll.u32 v6, $0x4;
	v11 =	vld [tilespmem:s31+$0x20]  }
0xc6: {  	v12 =	vld [tilespmem:s26+$0xFFFFFFD0];
	v6 =	vor.u32 v1, v6;
	v7 =	vshll.u32 v7, $0x4  }
0xc7: {  	v13 =	vld [tilespmem:s26+$0xFFFFFFE0];
	v7 =	vor.u32 v1, v7;
	v8 =	vshll.u32 v8, $0x4  }
0xc8: {  	v8 =	vor.u32 v1, v8;
	[tilespmem:v3+s18+$0x0] =	vst.idx.add.f32.msk $0xffff, v9  }
0xc9: {  	s2 =	simm.s32 $0x4DF0;
	v9 =	vshll.u32 v10, $0x4;
	[tilespmem:v3+s19+$0x0] =	vst.idx.add.f32.msk $0xffff, v2  }
0xca: {  	v3 =	vld [tilespmem:s26+$0xFFFFFFF0];
	v9 =	vor.u32 v1, v9;
	v10 =	vshll.u32 v11, $0x4  }
0xcb: {  	v11 =	vld [tilespmem:s26+$0x0];
	v10 =	vor.u32 v1, v10  }
0xcc: {  	v14 =	vld [tilespmem:s26+$0x10]  }
0xcd: {  	v15 =	vld [tilespmem:s26+$0x20]  }
0xce: {  	v16 =	vld [tilespmem:s26+$0xFFFFFFC0]  }
0xcf: {  	[tilespmem:v5+s18+$0x0] =	vst.idx.add.f32.msk $0xffff, v12  }
0xd0: {  	[tilespmem:v5+s19+$0x0] =	vst.idx.add.f32.msk $0xffff, v2  }
0xd1: {  	[tilespmem:v6+s18+$0x0] =	vst.idx.add.f32.msk $0xffff, v13  }
0xd2: {  	[tilespmem:v6+s19+$0x0] =	vst.idx.add.f32.msk $0xffff, v2  }
0xd3: {  	[tilespmem:v4+s18+$0x0] =	vst.idx.add.f32.msk $0xffff, v16  }
0xd4: {  	[tilespmem:v4+s19+$0x0] =	vst.idx.add.f32.msk $0xffff, v2  }
0xd5: {  	[tilespmem:v7+s18+$0x0] =	vst.idx.add.f32.msk $0xffff, v3  }
0xd6: {  	[tilespmem:v7+s19+$0x0] =	vst.idx.add.f32.msk $0xffff, v2  }
0xd7: {  	[tilespmem:v8+s18+$0x0] =	vst.idx.add.f32.msk $0xffff, v11  }
.Ltmp5:
0xd8: {  	[tilespmem:v8+s19+$0x0] =	vst.idx.add.f32.msk $0xffff, v2;
	(pc) =	sbr.rel @p1 .LBB2_8-.Ltmp5, $4  }
0xd9: {  	[tilespmem:v9+s18+$0x0] =	vst.idx.add.f32.msk $0xffff, v14  }
0xda: {  	[tilespmem:v9+s19+$0x0] =	vst.idx.add.f32.msk $0xffff, v2  }
0xdb: {  	[tilespmem:v10+s18+$0x0] =	vst.idx.add.f32.msk $0xffff, v15  }
0xdc: {  	s31 =	sadd.s32 $0x80, s31;
	[tilespmem:v10+s19+$0x0] =	vst.idx.add.f32.msk $0xffff, v2  }
.LBB2_9:
0xdd: {  	v3 =	vld [tilespmem:s28+$0x0];
	_ =	sdelay $0x4  }
0xde: {  	v3 =	vshll.u32 v3, $0x4  }
0xdf: {  	v4 =	vld [tilespmem:s29+$0x0];
	s2 =	sadd.s32 $0x10, s2;
	v3 =	vor.u32 v1, v3  }
0xe0: {  	p1 =	slt.u32 s2, $0x4E10  }
.Ltmp6:
0xe1: {  	_ = 	snop;
	(pc) =	sbr.rel @p1 .LBB2_9-.Ltmp6, $3  }
0xe2: {  	_ =	sdelay $0x1  }
0xe3: {  	[tilespmem:v3+s18+$0x0] =	vst.idx.add.f32.msk $0xffff, v4  }
0xe4: {  	s28 =	sadd.s32 $0x10, s28;
	s29 =	sadd.s32 $0x10, s29;
	[tilespmem:v3+s19+$0x0] =	vst.idx.add.f32.msk $0xffff, v2  }
.Ltmp7:
0xe5: {  	(pc) =	sbr.rel @p0 .LBB2_12-.Ltmp7, $1  }
0xe6: {  	_ =	sdelay $0x3  }
0xe7: {  	s2 =	smul.u32 $0x9C40, s25;
	_ =	sdelay $0x1  }
0xe8: {  	s2 =	sadd.s32 s2, s10  }
.Ltmp8:
0xe9: {  	s2 =	sshrl.u32 s2, $0x3;
	(pc) =	sbr.rel .LBB2_4-.Ltmp8, $4  }
0xea: {  	s26 =	sadd.s32 s1, s2  }
0xeb: {  	[tilespmem:s15], [sflag:$0x2] =	stream.linear.gather [hbm4b:s26+s4], $0x4E20, $0x38;
	[tilespmem:$0x15A00] =	vst v63  }
0xec: {  	s25 =	sadd.s32 $0x1, s25;
	s2 =	sadd.s32 s3, s2  }
0xed: {  	[tilespmem:s16], [sflag:$0x2] =	stream.linear.gather [hbm4b:s2+s4], $0x4E20, $0x38;
	[tilespmem:$0x15A00] =	vst v63  }
.LBB2_13:
0xee: {  	_ =	sfence.sel $0x180000  }
0xef: {  	[bflag:$0x0] =	sbarrier.arrive $0xFFFF  }
0xf0: {  	_ =	strace $0x90000047  }
0xf1: {  	[bflag:$0x2] =	sbarrier.arrive $0xFFFF  }
0xf2: {  	p0 =	sne.s32 s0, $0x0;
	s0 =	rddreg [dreg:$0x3]  }
0xf3: {  	s0 =	sadd.s32 @!p0 $0x100000, s0  }
0xf4: {  	[sflag:s0] =	ssyncadd.tile.s32 @!p0 $0x1;
	_ =	shalt  }
.Lfunc_end2:
_tile_overlayer_lowered:
.L_overlay_start_2:
0xf5: {  	(tag) =	ssettag $0x2  }
0xf6: {  	s0 =	rddreg [dreg:$0x0];
	s2 =	stileid.u32  }
0xf7: {  	s1 =	rddreg [dreg:$0x1];
	p0 =	sne.s32 s2, $0x0  }
0xf8: {  	s3 =	rddreg [dreg:$0x2];
	[bflag:$0x3] =	sbarrier.arrive $0xFFFF;
	s2 =	simm.s32 @!p0 $0x1C03  }
0xf9: {  	[timem:s3], [sflag:s2] =	dma.local @!p0 [hbm:s0], s1  }
0xfa: {  	s0 =	simm.s32 @!p0 $0x3  }
0xfb: {  	_ =	swait.ge @!p0 [sflag:s0], s1  }
0xfc: {  	s1 =	ssub.s32 @!p0 $0x0, s1;
	[sflag:s0] =	ssyncset.done @!p0 $0x0  }
0xfd: {  	[sflag:s0] =	ssyncadd.s32 @!p0 s1  }
0xfe: {  	[bflag:$0x3] =	sbarrier.arrive $0xFFFF  }
0xff: {  	_ =	shalt  }

</sc_bundles>
